<compile_context>
chip_gen: v7x
topology: tpu7x:2x2x1
jax: 0.10.2.dev20260603
libtpu: 0.0.44.dev20260713+nightly
codegen_flags: <defaults>
</compile_context>

<pallas_src>
import jax
import jax.numpy as jnp
from jax import lax
from jax.experimental import pallas as pl
from jax.experimental.pallas import tpu as pltpu
from jax.experimental.pallas import tpu_sc as plsc

_D = 16
_N = 1000000
_SEG = 62464
_CH = 7808
_NCH = _SEG // _CH
_TAIL = _N - 16 * _SEG


def _sc_body(in_hbm, out_hbm, b0, b1, tbuf, ls0, ls1, ss0, ss1):
    band = lax.axis_index("c") * 8
    s = lax.axis_index("s")
    col0 = s * _SEG
    bufs = (b0, b1)
    ld = (ls0, ls1)
    st = (ss0, ss1)

    def src(i):
        return in_hbm.at[pl.ds(band, 8), pl.ds(col0 + i * _CH, _CH)]

    def dst(i):
        return out_hbm.at[pl.ds(band, 8), pl.ds(col0 + i * _CH, _CH)]

    pltpu.make_async_copy(src(0), bufs[0], ld[0]).start()
    for i in range(_NCH):
        b = i % 2
        if i + 1 < _NCH:
            nb = (i + 1) % 2
            if i >= 1:
                pltpu.make_async_copy(bufs[nb], dst(i - 1), st[nb]).wait()
            pltpu.make_async_copy(src(i + 1), bufs[nb], ld[nb]).start()
        pltpu.make_async_copy(src(i), bufs[b], ld[b]).wait()
        pltpu.make_async_copy(bufs[b], dst(i), st[b]).start()
    lb = (_NCH - 1) % 2
    pltpu.make_async_copy(bufs[lb], dst(_NCH - 1), st[lb]).wait()

    @pl.when(s == 15)
    def _tail():
        tcol = 16 * _SEG
        pltpu.sync_copy(in_hbm.at[pl.ds(band, 8), pl.ds(tcol, _TAIL)], tbuf)
        pltpu.sync_copy(tbuf, out_hbm.at[pl.ds(band, 8), pl.ds(tcol, _TAIL)])


def kernel(c_embeddings):
    n, d = c_embeddings.shape
    xt = c_embeddings.T
    mesh = plsc.VectorSubcoreMesh(core_axis_name="c", subcore_axis_name="s")
    sc_copy = pl.kernel(
        _sc_body,
        out_type=jax.ShapeDtypeStruct((d, n), xt.dtype),
        mesh=mesh,
        scratch_types=[
            pltpu.VMEM((8, _CH), jnp.float32),
            pltpu.VMEM((8, _CH), jnp.float32),
            pltpu.VMEM((8, _TAIL), jnp.float32),
            pltpu.SemaphoreType.DMA,
            pltpu.SemaphoreType.DMA,
            pltpu.SemaphoreType.DMA,
            pltpu.SemaphoreType.DMA,
        ],
        compiler_params=pltpu.CompilerParams(use_tc_tiling_on_sc=True),
    )
    return sc_copy(xt).T

# --- scband reference (transcript-rebuilt; emitter-appended) ---
"""Pipeline reference for scband-embedding-layer-77077483094343 (READ-ONLY COPY).

The authoritative reference and input builder live on the scoring server;
editing this copy changes nothing except your own understanding.
"""

import jax, jax.numpy as jnp
import numpy as np
import math

CODE_NUM = 1000000
CODE_SIZE = 16

def _xavier_uniform(key, shape, dtype=jnp.float32):
    fan_in, fan_out = shape[0], shape[1]
    bound = math.sqrt(6.0 / (fan_in + fan_out))
    return jax.random.uniform(key, shape, dtype=dtype, minval=-bound, maxval=bound)

def setup_inputs(seed: int = 0) -> dict:
    key = jax.random.key(seed)
    c_embeddings = _xavier_uniform(key, (CODE_NUM, CODE_SIZE))
    return {"c_embeddings": c_embeddings}

def reference(c_embeddings):
    # EmbeddingLayer.forward(): simply returns the learned embedding table.
    return c_embeddings

if __name__ == "__main__":
    import jax
    _d = setup_inputs()
    print(jax.jit(kernel)(*tuple(_d.values())))

</pallas_src>

<mosaic_0001>
#map = affine_map<(d0, d1) -> (0, 0)>
module attributes {stable_mosaic.version = 14 : i64} {
  func.func @_sc_body(%arg0: i32, %arg1: i32, %arg2: memref<16x1000000xf32, #tpu.memory_space<hbm>>, %arg3: memref<16x1000000xf32, #tpu.memory_space<hbm>>, %arg4: memref<8x7808xf32, #tpu.memory_space<vmem>>, %arg5: memref<8x7808xf32, #tpu.memory_space<vmem>>, %arg6: memref<8x576xf32, #tpu.memory_space<vmem>>, %arg7: memref<!tpu.dma_semaphore, #tpu.memory_space<semaphore_mem>>, %arg8: memref<!tpu.dma_semaphore, #tpu.memory_space<semaphore_mem>>, %arg9: memref<!tpu.dma_semaphore, #tpu.memory_space<semaphore_mem>>, %arg10: memref<!tpu.dma_semaphore, #tpu.memory_space<semaphore_mem>>) attributes {dimension_semantics = [#tpu.dimension_semantics<core_parallel>, #tpu.dimension_semantics<subcore_parallel>], iteration_bounds = array<i64: 2, 16>, scalar_prefetch = 0 : i64, scratch_operands = 7 : i64, tpu.core_type = #tpu.core_type<sc_vector_subcore>, window_params = [{transform_indices = #map}, {transform_indices = #map}]} {
    %mul3A = arith.constant 8 : i32
    %mul3A_0 = arith.muli %arg0, %mul3A : i32
    %mul3A_1 = arith.constant 62464 : i32
    %mul3A_2 = arith.muli %arg1, %mul3A_1 : i32
    %add3A = arith.constant 0 : i32
    %add3A_3 = arith.addi %mul3A_2, %add3A : i32
    %dma_start3A = tpu.memref_slice %arg2[%mul3A_0, %add3A_3] : memref<16x1000000xf32, #tpu.memory_space<hbm>> -> memref<8x7808xf32, #tpu.memory_space<hbm>>
    %dma_start3A_4 = tpu.memref_slice %arg2[%mul3A_0, %add3A_3] : memref<16x1000000xf32, #tpu.memory_space<hbm>> -> memref<8x7808xf32, #tpu.memory_space<hbm>>
    tpu.enqueue_dma source(%dma_start3A_4 : memref<8x7808xf32, #tpu.memory_space<hbm>>) target(%arg4 : memref<8x7808xf32, #tpu.memory_space<vmem>>) target_semaphore(%arg7 : memref<!tpu.dma_semaphore, #tpu.memory_space<semaphore_mem>>)
    %add3A_5 = arith.constant 7808 : i32
    %add3A_6 = arith.addi %mul3A_2, %add3A_5 : i32
    %dma_start3A_7 = tpu.memref_slice %arg2[%mul3A_0, %add3A_6] : memref<16x1000000xf32, #tpu.memory_space<hbm>> -> memref<8x7808xf32, #tpu.memory_space<hbm>>
    %dma_start3A_8 = tpu.memref_slice %arg2[%mul3A_0, %add3A_6] : memref<16x1000000xf32, #tpu.memory_space<hbm>> -> memref<8x7808xf32, #tpu.memory_space<hbm>>
    tpu.enqueue_dma source(%dma_start3A_8 : memref<8x7808xf32, #tpu.memory_space<hbm>>) target(%arg5 : memref<8x7808xf32, #tpu.memory_space<vmem>>) target_semaphore(%arg8 : memref<!tpu.dma_semaphore, #tpu.memory_space<semaphore_mem>>)
    %add3A_9 = arith.constant 0 : i32
    %add3A_10 = arith.addi %mul3A_2, %add3A_9 : i32
    %dma_wait3A = tpu.memref_slice %arg2[%mul3A_0, %add3A_10] : memref<16x1000000xf32, #tpu.memory_space<hbm>> -> memref<8x7808xf32, #tpu.memory_space<hbm>>
    %dma_wait3A_11 = tpu.memref_slice %arg2[%mul3A_0, %add3A_10] : memref<16x1000000xf32, #tpu.memory_space<hbm>> -> memref<8x7808xf32, #tpu.memory_space<hbm>>
    tpu.wait_dma2 semaphore(%arg7 : memref<!tpu.dma_semaphore, #tpu.memory_space<semaphore_mem>>) src(%dma_wait3A_11 : memref<8x7808xf32, #tpu.memory_space<hbm>>) dst(%arg4 : memref<8x7808xf32, #tpu.memory_space<vmem>>)
    %add3A_12 = arith.constant 0 : i32
    %add3A_13 = arith.addi %mul3A_2, %add3A_12 : i32
    %dma_start3A_14 = tpu.memref_slice %arg3[%mul3A_0, %add3A_13] : memref<16x1000000xf32, #tpu.memory_space<hbm>> -> memref<8x7808xf32, #tpu.memory_space<hbm>>
    %dma_start3A_15 = tpu.memref_slice %arg3[%mul3A_0, %add3A_13] : memref<16x1000000xf32, #tpu.memory_space<hbm>> -> memref<8x7808xf32, #tpu.memory_space<hbm>>
    tpu.enqueue_dma source(%arg4 : memref<8x7808xf32, #tpu.memory_space<vmem>>) target(%dma_start3A_15 : memref<8x7808xf32, #tpu.memory_space<hbm>>) target_semaphore(%arg9 : memref<!tpu.dma_semaphore, #tpu.memory_space<semaphore_mem>>)
    %add3A_16 = arith.constant 0 : i32
    %add3A_17 = arith.addi %mul3A_2, %add3A_16 : i32
    %dma_wait3A_18 = tpu.memref_slice %arg3[%mul3A_0, %add3A_17] : memref<16x1000000xf32, #tpu.memory_space<hbm>> -> memref<8x7808xf32, #tpu.memory_space<hbm>>
    %dma_wait3A_19 = tpu.memref_slice %arg3[%mul3A_0, %add3A_17] : memref<16x1000000xf32, #tpu.memory_space<hbm>> -> memref<8x7808xf32, #tpu.memory_space<hbm>>
    tpu.wait_dma2 semaphore(%arg9 : memref<!tpu.dma_semaphore, #tpu.memory_space<semaphore_mem>>) src(%arg4 : memref<8x7808xf32, #tpu.memory_space<vmem>>) dst(%dma_wait3A_19 : memref<8x7808xf32, #tpu.memory_space<hbm>>)
    %add3A_20 = arith.constant 15616 : i32
    %add3A_21 = arith.addi %mul3A_2, %add3A_20 : i32
    %dma_start3A_22 = tpu.memref_slice %arg2[%mul3A_0, %add3A_21] : memref<16x1000000xf32, #tpu.memory_space<hbm>> -> memref<8x7808xf32, #tpu.memory_space<hbm>>
    %dma_start3A_23 = tpu.memref_slice %arg2[%mul3A_0, %add3A_21] : memref<16x1000000xf32, #tpu.memory_space<hbm>> -> memref<8x7808xf32, #tpu.memory_space<hbm>>
    tpu.enqueue_dma source(%dma_start3A_23 : memref<8x7808xf32, #tpu.memory_space<hbm>>) target(%arg4 : memref<8x7808xf32, #tpu.memory_space<vmem>>) target_semaphore(%arg7 : memref<!tpu.dma_semaphore, #tpu.memory_space<semaphore_mem>>)
    %add3A_24 = arith.constant 7808 : i32
    %add3A_25 = arith.addi %mul3A_2, %add3A_24 : i32
    %dma_wait3A_26 = tpu.memref_slice %arg2[%mul3A_0, %add3A_25] : memref<16x1000000xf32, #tpu.memory_space<hbm>> -> memref<8x7808xf32, #tpu.memory_space<hbm>>
    %dma_wait3A_27 = tpu.memref_slice %arg2[%mul3A_0, %add3A_25] : memref<16x1000000xf32, #tpu.memory_space<hbm>> -> memref<8x7808xf32, #tpu.memory_space<hbm>>
    tpu.wait_dma2 semaphore(%arg8 : memref<!tpu.dma_semaphore, #tpu.memory_space<semaphore_mem>>) src(%dma_wait3A_27 : memref<8x7808xf32, #tpu.memory_space<hbm>>) dst(%arg5 : memref<8x7808xf32, #tpu.memory_space<vmem>>)
    %add3A_28 = arith.constant 7808 : i32
    %add3A_29 = arith.addi %mul3A_2, %add3A_28 : i32
    %dma_start3A_30 = tpu.memref_slice %arg3[%mul3A_0, %add3A_29] : memref<16x1000000xf32, #tpu.memory_space<hbm>> -> memref<8x7808xf32, #tpu.memory_space<hbm>>
    %dma_start3A_31 = tpu.memref_slice %arg3[%mul3A_0, %add3A_29] : memref<16x1000000xf32, #tpu.memory_space<hbm>> -> memref<8x7808xf32, #tpu.memory_space<hbm>>
    tpu.enqueue_dma source(%arg5 : memref<8x7808xf32, #tpu.memory_space<vmem>>) target(%dma_start3A_31 : memref<8x7808xf32, #tpu.memory_space<hbm>>) target_semaphore(%arg10 : memref<!tpu.dma_semaphore, #tpu.memory_space<semaphore_mem>>)
    %add3A_32 = arith.constant 7808 : i32
    %add3A_33 = arith.addi %mul3A_2, %add3A_32 : i32
    %dma_wait3A_34 = tpu.memref_slice %arg3[%mul3A_0, %add3A_33] : memref<16x1000000xf32, #tpu.memory_space<hbm>> -> memref<8x7808xf32, #tpu.memory_space<hbm>>
    %dma_wait3A_35 = tpu.memref_slice %arg3[%mul3A_0, %add3A_33] : memref<16x1000000xf32, #tpu.memory_space<hbm>> -> memref<8x7808xf32, #tpu.memory_space<hbm>>
    tpu.wait_dma2 semaphore(%arg10 : memref<!tpu.dma_semaphore, #tpu.memory_space<semaphore_mem>>) src(%arg5 : memref<8x7808xf32, #tpu.memory_space<vmem>>) dst(%dma_wait3A_35 : memref<8x7808xf32, #tpu.memory_space<hbm>>)
    %add3A_36 = arith.constant 23424 : i32
    %add3A_37 = arith.addi %mul3A_2, %add3A_36 : i32
    %dma_start3A_38 = tpu.memref_slice %arg2[%mul3A_0, %add3A_37] : memref<16x1000000xf32, #tpu.memory_space<hbm>> -> memref<8x7808xf32, #tpu.memory_space<hbm>>
    %dma_start3A_39 = tpu.memref_slice %arg2[%mul3A_0, %add3A_37] : memref<16x1000000xf32, #tpu.memory_space<hbm>> -> memref<8x7808xf32, #tpu.memory_space<hbm>>
    tpu.enqueue_dma source(%dma_start3A_39 : memref<8x7808xf32, #tpu.memory_space<hbm>>) target(%arg5 : memref<8x7808xf32, #tpu.memory_space<vmem>>) target_semaphore(%arg8 : memref<!tpu.dma_semaphore, #tpu.memory_space<semaphore_mem>>)
    %add3A_40 = arith.constant 15616 : i32
    %add3A_41 = arith.addi %mul3A_2, %add3A_40 : i32
    %dma_wait3A_42 = tpu.memref_slice %arg2[%mul3A_0, %add3A_41] : memref<16x1000000xf32, #tpu.memory_space<hbm>> -> memref<8x7808xf32, #tpu.memory_space<hbm>>
    %dma_wait3A_43 = tpu.memref_slice %arg2[%mul3A_0, %add3A_41] : memref<16x1000000xf32, #tpu.memory_space<hbm>> -> memref<8x7808xf32, #tpu.memory_space<hbm>>
    tpu.wait_dma2 semaphore(%arg7 : memref<!tpu.dma_semaphore, #tpu.memory_space<semaphore_mem>>) src(%dma_wait3A_43 : memref<8x7808xf32, #tpu.memory_space<hbm>>) dst(%arg4 : memref<8x7808xf32, #tpu.memory_space<vmem>>)
    %add3A_44 = arith.constant 15616 : i32
    %add3A_45 = arith.addi %mul3A_2, %add3A_44 : i32
    %dma_start3A_46 = tpu.memref_slice %arg3[%mul3A_0, %add3A_45] : memref<16x1000000xf32, #tpu.memory_space<hbm>> -> memref<8x7808xf32, #tpu.memory_space<hbm>>
    %dma_start3A_47 = tpu.memref_slice %arg3[%mul3A_0, %add3A_45] : memref<16x1000000xf32, #tpu.memory_space<hbm>> -> memref<8x7808xf32, #tpu.memory_space<hbm>>
    tpu.enqueue_dma source(%arg4 : memref<8x7808xf32, #tpu.memory_space<vmem>>) target(%dma_start3A_47 : memref<8x7808xf32, #tpu.memory_space<hbm>>) target_semaphore(%arg9 : memref<!tpu.dma_semaphore, #tpu.memory_space<semaphore_mem>>)
    %add3A_48 = arith.constant 15616 : i32
    %add3A_49 = arith.addi %mul3A_2, %add3A_48 : i32
    %dma_wait3A_50 = tpu.memref_slice %arg3[%mul3A_0, %add3A_49] : memref<16x1000000xf32, #tpu.memory_space<hbm>> -> memref<8x7808xf32, #tpu.memory_space<hbm>>
    %dma_wait3A_51 = tpu.memref_slice %arg3[%mul3A_0, %add3A_49] : memref<16x1000000xf32, #tpu.memory_space<hbm>> -> memref<8x7808xf32, #tpu.memory_space<hbm>>
    tpu.wait_dma2 semaphore(%arg9 : memref<!tpu.dma_semaphore, #tpu.memory_space<semaphore_mem>>) src(%arg4 : memref<8x7808xf32, #tpu.memory_space<vmem>>) dst(%dma_wait3A_51 : memref<8x7808xf32, #tpu.memory_space<hbm>>)
    %add3A_52 = arith.constant 31232 : i32
    %add3A_53 = arith.addi %mul3A_2, %add3A_52 : i32
    %dma_start3A_54 = tpu.memref_slice %arg2[%mul3A_0, %add3A_53] : memref<16x1000000xf32, #tpu.memory_space<hbm>> -> memref<8x7808xf32, #tpu.memory_space<hbm>>
    %dma_start3A_55 = tpu.memref_slice %arg2[%mul3A_0, %add3A_53] : memref<16x1000000xf32, #tpu.memory_space<hbm>> -> memref<8x7808xf32, #tpu.memory_space<hbm>>
    tpu.enqueue_dma source(%dma_start3A_55 : memref<8x7808xf32, #tpu.memory_space<hbm>>) target(%arg4 : memref<8x7808xf32, #tpu.memory_space<vmem>>) target_semaphore(%arg7 : memref<!tpu.dma_semaphore, #tpu.memory_space<semaphore_mem>>)
    %add3A_56 = arith.constant 23424 : i32
    %add3A_57 = arith.addi %mul3A_2, %add3A_56 : i32
    %dma_wait3A_58 = tpu.memref_slice %arg2[%mul3A_0, %add3A_57] : memref<16x1000000xf32, #tpu.memory_space<hbm>> -> memref<8x7808xf32, #tpu.memory_space<hbm>>
    %dma_wait3A_59 = tpu.memref_slice %arg2[%mul3A_0, %add3A_57] : memref<16x1000000xf32, #tpu.memory_space<hbm>> -> memref<8x7808xf32, #tpu.memory_space<hbm>>
    tpu.wait_dma2 semaphore(%arg8 : memref<!tpu.dma_semaphore, #tpu.memory_space<semaphore_mem>>) src(%dma_wait3A_59 : memref<8x7808xf32, #tpu.memory_space<hbm>>) dst(%arg5 : memref<8x7808xf32, #tpu.memory_space<vmem>>)
    %add3A_60 = arith.constant 23424 : i32
    %add3A_61 = arith.addi %mul3A_2, %add3A_60 : i32
    %dma_start3A_62 = tpu.memref_slice %arg3[%mul3A_0, %add3A_61] : memref<16x1000000xf32, #tpu.memory_space<hbm>> -> memref<8x7808xf32, #tpu.memory_space<hbm>>
    %dma_start3A_63 = tpu.memref_slice %arg3[%mul3A_0, %add3A_61] : memref<16x1000000xf32, #tpu.memory_space<hbm>> -> memref<8x7808xf32, #tpu.memory_space<hbm>>
    tpu.enqueue_dma source(%arg5 : memref<8x7808xf32, #tpu.memory_space<vmem>>) target(%dma_start3A_63 : memref<8x7808xf32, #tpu.memory_space<hbm>>) target_semaphore(%arg10 : memref<!tpu.dma_semaphore, #tpu.memory_space<semaphore_mem>>)
    %add3A_64 = arith.constant 23424 : i32
    %add3A_65 = arith.addi %mul3A_2, %add3A_64 : i32
    %dma_wait3A_66 = tpu.memref_slice %arg3[%mul3A_0, %add3A_65] : memref<16x1000000xf32, #tpu.memory_space<hbm>> -> memref<8x7808xf32, #tpu.memory_space<hbm>>
    %dma_wait3A_67 = tpu.memref_slice %arg3[%mul3A_0, %add3A_65] : memref<16x1000000xf32, #tpu.memory_space<hbm>> -> memref<8x7808xf32, #tpu.memory_space<hbm>>
    tpu.wait_dma2 semaphore(%arg10 : memref<!tpu.dma_semaphore, #tpu.memory_space<semaphore_mem>>) src(%arg5 : memref<8x7808xf32, #tpu.memory_space<vmem>>) dst(%dma_wait3A_67 : memref<8x7808xf32, #tpu.memory_space<hbm>>)
    %add3A_68 = arith.constant 39040 : i32
    %add3A_69 = arith.addi %mul3A_2, %add3A_68 : i32
    %dma_start3A_70 = tpu.memref_slice %arg2[%mul3A_0, %add3A_69] : memref<16x1000000xf32, #tpu.memory_space<hbm>> -> memref<8x7808xf32, #tpu.memory_space<hbm>>
    %dma_start3A_71 = tpu.memref_slice %arg2[%mul3A_0, %add3A_69] : memref<16x1000000xf32, #tpu.memory_space<hbm>> -> memref<8x7808xf32, #tpu.memory_space<hbm>>
    tpu.enqueue_dma source(%dma_start3A_71 : memref<8x7808xf32, #tpu.memory_space<hbm>>) target(%arg5 : memref<8x7808xf32, #tpu.memory_space<vmem>>) target_semaphore(%arg8 : memref<!tpu.dma_semaphore, #tpu.memory_space<semaphore_mem>>)
    %add3A_72 = arith.constant 31232 : i32
    %add3A_73 = arith.addi %mul3A_2, %add3A_72 : i32
    %dma_wait3A_74 = tpu.memref_slice %arg2[%mul3A_0, %add3A_73] : memref<16x1000000xf32, #tpu.memory_space<hbm>> -> memref<8x7808xf32, #tpu.memory_space<hbm>>
    %dma_wait3A_75 = tpu.memref_slice %arg2[%mul3A_0, %add3A_73] : memref<16x1000000xf32, #tpu.memory_space<hbm>> -> memref<8x7808xf32, #tpu.memory_space<hbm>>
    tpu.wait_dma2 semaphore(%arg7 : memref<!tpu.dma_semaphore, #tpu.memory_space<semaphore_mem>>) src(%dma_wait3A_75 : memref<8x7808xf32, #tpu.memory_space<hbm>>) dst(%arg4 : memref<8x7808xf32, #tpu.memory_space<vmem>>)
    %add3A_76 = arith.constant 31232 : i32
    %add3A_77 = arith.addi %mul3A_2, %add3A_76 : i32
    %dma_start3A_78 = tpu.memref_slice %arg3[%mul3A_0, %add3A_77] : memref<16x1000000xf32, #tpu.memory_space<hbm>> -> memref<8x7808xf32, #tpu.memory_space<hbm>>
    %dma_start3A_79 = tpu.memref_slice %arg3[%mul3A_0, %add3A_77] : memref<16x1000000xf32, #tpu.memory_space<hbm>> -> memref<8x7808xf32, #tpu.memory_space<hbm>>
    tpu.enqueue_dma source(%arg4 : memref<8x7808xf32, #tpu.memory_space<vmem>>) target(%dma_start3A_79 : memref<8x7808xf32, #tpu.memory_space<hbm>>) target_semaphore(%arg9 : memref<!tpu.dma_semaphore, #tpu.memory_space<semaphore_mem>>)
    %add3A_80 = arith.constant 31232 : i32
    %add3A_81 = arith.addi %mul3A_2, %add3A_80 : i32
    %dma_wait3A_82 = tpu.memref_slice %arg3[%mul3A_0, %add3A_81] : memref<16x1000000xf32, #tpu.memory_space<hbm>> -> memref<8x7808xf32, #tpu.memory_space<hbm>>
    %dma_wait3A_83 = tpu.memref_slice %arg3[%mul3A_0, %add3A_81] : memref<16x1000000xf32, #tpu.memory_space<hbm>> -> memref<8x7808xf32, #tpu.memory_space<hbm>>
    tpu.wait_dma2 semaphore(%arg9 : memref<!tpu.dma_semaphore, #tpu.memory_space<semaphore_mem>>) src(%arg4 : memref<8x7808xf32, #tpu.memory_space<vmem>>) dst(%dma_wait3A_83 : memref<8x7808xf32, #tpu.memory_space<hbm>>)
    %add3A_84 = arith.constant 46848 : i32
    %add3A_85 = arith.addi %mul3A_2, %add3A_84 : i32
    %dma_start3A_86 = tpu.memref_slice %arg2[%mul3A_0, %add3A_85] : memref<16x1000000xf32, #tpu.memory_space<hbm>> -> memref<8x7808xf32, #tpu.memory_space<hbm>>
    %dma_start3A_87 = tpu.memref_slice %arg2[%mul3A_0, %add3A_85] : memref<16x1000000xf32, #tpu.memory_space<hbm>> -> memref<8x7808xf32, #tpu.memory_space<hbm>>
    tpu.enqueue_dma source(%dma_start3A_87 : memref<8x7808xf32, #tpu.memory_space<hbm>>) target(%arg4 : memref<8x7808xf32, #tpu.memory_space<vmem>>) target_semaphore(%arg7 : memref<!tpu.dma_semaphore, #tpu.memory_space<semaphore_mem>>)
    %add3A_88 = arith.constant 39040 : i32
    %add3A_89 = arith.addi %mul3A_2, %add3A_88 : i32
    %dma_wait3A_90 = tpu.memref_slice %arg2[%mul3A_0, %add3A_89] : memref<16x1000000xf32, #tpu.memory_space<hbm>> -> memref<8x7808xf32, #tpu.memory_space<hbm>>
    %dma_wait3A_91 = tpu.memref_slice %arg2[%mul3A_0, %add3A_89] : memref<16x1000000xf32, #tpu.memory_space<hbm>> -> memref<8x7808xf32, #tpu.memory_space<hbm>>
    tpu.wait_dma2 semaphore(%arg8 : memref<!tpu.dma_semaphore, #tpu.memory_space<semaphore_mem>>) src(%dma_wait3A_91 : memref<8x7808xf32, #tpu.memory_space<hbm>>) dst(%arg5 : memref<8x7808xf32, #tpu.memory_space<vmem>>)
    %add3A_92 = arith.constant 39040 : i32
    %add3A_93 = arith.addi %mul3A_2, %add3A_92 : i32
    %dma_start3A_94 = tpu.memref_slice %arg3[%mul3A_0, %add3A_93] : memref<16x1000000xf32, #tpu.memory_space<hbm>> -> memref<8x7808xf32, #tpu.memory_space<hbm>>
    %dma_start3A_95 = tpu.memref_slice %arg3[%mul3A_0, %add3A_93] : memref<16x1000000xf32, #tpu.memory_space<hbm>> -> memref<8x7808xf32, #tpu.memory_space<hbm>>
    tpu.enqueue_dma source(%arg5 : memref<8x7808xf32, #tpu.memory_space<vmem>>) target(%dma_start3A_95 : memref<8x7808xf32, #tpu.memory_space<hbm>>) target_semaphore(%arg10 : memref<!tpu.dma_semaphore, #tpu.memory_space<semaphore_mem>>)
    %add3A_96 = arith.constant 39040 : i32
    %add3A_97 = arith.addi %mul3A_2, %add3A_96 : i32
    %dma_wait3A_98 = tpu.memref_slice %arg3[%mul3A_0, %add3A_97] : memref<16x1000000xf32, #tpu.memory_space<hbm>> -> memref<8x7808xf32, #tpu.memory_space<hbm>>
    %dma_wait3A_99 = tpu.memref_slice %arg3[%mul3A_0, %add3A_97] : memref<16x1000000xf32, #tpu.memory_space<hbm>> -> memref<8x7808xf32, #tpu.memory_space<hbm>>
    tpu.wait_dma2 semaphore(%arg10 : memref<!tpu.dma_semaphore, #tpu.memory_space<semaphore_mem>>) src(%arg5 : memref<8x7808xf32, #tpu.memory_space<vmem>>) dst(%dma_wait3A_99 : memref<8x7808xf32, #tpu.memory_space<hbm>>)
    %add3A_100 = arith.constant 54656 : i32
    %add3A_101 = arith.addi %mul3A_2, %add3A_100 : i32
    %dma_start3A_102 = tpu.memref_slice %arg2[%mul3A_0, %add3A_101] : memref<16x1000000xf32, #tpu.memory_space<hbm>> -> memref<8x7808xf32, #tpu.memory_space<hbm>>
    %dma_start3A_103 = tpu.memref_slice %arg2[%mul3A_0, %add3A_101] : memref<16x1000000xf32, #tpu.memory_space<hbm>> -> memref<8x7808xf32, #tpu.memory_space<hbm>>
    tpu.enqueue_dma source(%dma_start3A_103 : memref<8x7808xf32, #tpu.memory_space<hbm>>) target(%arg5 : memref<8x7808xf32, #tpu.memory_space<vmem>>) target_semaphore(%arg8 : memref<!tpu.dma_semaphore, #tpu.memory_space<semaphore_mem>>)
    %add3A_104 = arith.constant 46848 : i32
    %add3A_105 = arith.addi %mul3A_2, %add3A_104 : i32
    %dma_wait3A_106 = tpu.memref_slice %arg2[%mul3A_0, %add3A_105] : memref<16x1000000xf32, #tpu.memory_space<hbm>> -> memref<8x7808xf32, #tpu.memory_space<hbm>>
    %dma_wait3A_107 = tpu.memref_slice %arg2[%mul3A_0, %add3A_105] : memref<16x1000000xf32, #tpu.memory_space<hbm>> -> memref<8x7808xf32, #tpu.memory_space<hbm>>
    tpu.wait_dma2 semaphore(%arg7 : memref<!tpu.dma_semaphore, #tpu.memory_space<semaphore_mem>>) src(%dma_wait3A_107 : memref<8x7808xf32, #tpu.memory_space<hbm>>) dst(%arg4 : memref<8x7808xf32, #tpu.memory_space<vmem>>)
    %add3A_108 = arith.constant 46848 : i32
    %add3A_109 = arith.addi %mul3A_2, %add3A_108 : i32
    %dma_start3A_110 = tpu.memref_slice %arg3[%mul3A_0, %add3A_109] : memref<16x1000000xf32, #tpu.memory_space<hbm>> -> memref<8x7808xf32, #tpu.memory_space<hbm>>
    %dma_start3A_111 = tpu.memref_slice %arg3[%mul3A_0, %add3A_109] : memref<16x1000000xf32, #tpu.memory_space<hbm>> -> memref<8x7808xf32, #tpu.memory_space<hbm>>
    tpu.enqueue_dma source(%arg4 : memref<8x7808xf32, #tpu.memory_space<vmem>>) target(%dma_start3A_111 : memref<8x7808xf32, #tpu.memory_space<hbm>>) target_semaphore(%arg9 : memref<!tpu.dma_semaphore, #tpu.memory_space<semaphore_mem>>)
    %add3A_112 = arith.constant 54656 : i32
    %add3A_113 = arith.addi %mul3A_2, %add3A_112 : i32
    %dma_wait3A_114 = tpu.memref_slice %arg2[%mul3A_0, %add3A_113] : memref<16x1000000xf32, #tpu.memory_space<hbm>> -> memref<8x7808xf32, #tpu.memory_space<hbm>>
    %dma_wait3A_115 = tpu.memref_slice %arg2[%mul3A_0, %add3A_113] : memref<16x1000000xf32, #tpu.memory_space<hbm>> -> memref<8x7808xf32, #tpu.memory_space<hbm>>
    tpu.wait_dma2 semaphore(%arg8 : memref<!tpu.dma_semaphore, #tpu.memory_space<semaphore_mem>>) src(%dma_wait3A_115 : memref<8x7808xf32, #tpu.memory_space<hbm>>) dst(%arg5 : memref<8x7808xf32, #tpu.memory_space<vmem>>)
    %add3A_116 = arith.constant 54656 : i32
    %add3A_117 = arith.addi %mul3A_2, %add3A_116 : i32
    %dma_start3A_118 = tpu.memref_slice %arg3[%mul3A_0, %add3A_117] : memref<16x1000000xf32, #tpu.memory_space<hbm>> -> memref<8x7808xf32, #tpu.memory_space<hbm>>
    %dma_start3A_119 = tpu.memref_slice %arg3[%mul3A_0, %add3A_117] : memref<16x1000000xf32, #tpu.memory_space<hbm>> -> memref<8x7808xf32, #tpu.memory_space<hbm>>
    tpu.enqueue_dma source(%arg5 : memref<8x7808xf32, #tpu.memory_space<vmem>>) target(%dma_start3A_119 : memref<8x7808xf32, #tpu.memory_space<hbm>>) target_semaphore(%arg10 : memref<!tpu.dma_semaphore, #tpu.memory_space<semaphore_mem>>)
    %add3A_120 = arith.constant 54656 : i32
    %add3A_121 = arith.addi %mul3A_2, %add3A_120 : i32
    %dma_wait3A_122 = tpu.memref_slice %arg3[%mul3A_0, %add3A_121] : memref<16x1000000xf32, #tpu.memory_space<hbm>> -> memref<8x7808xf32, #tpu.memory_space<hbm>>
    %dma_wait3A_123 = tpu.memref_slice %arg3[%mul3A_0, %add3A_121] : memref<16x1000000xf32, #tpu.memory_space<hbm>> -> memref<8x7808xf32, #tpu.memory_space<hbm>>
    tpu.wait_dma2 semaphore(%arg10 : memref<!tpu.dma_semaphore, #tpu.memory_space<semaphore_mem>>) src(%arg5 : memref<8x7808xf32, #tpu.memory_space<vmem>>) dst(%dma_wait3A_123 : memref<8x7808xf32, #tpu.memory_space<hbm>>)
    %eq3A = arith.constant 15 : i32
    %eq3A_124 = arith.cmpi eq, %arg1, %eq3A : i32
    %convert_element_type3A = arith.extui %eq3A_124 : i1 to i32
    %cond3A = arith.constant 0 : i32
    %cond3A_125 = arith.cmpi ne, %convert_element_type3A, %cond3A : i32
    scf.if %cond3A_125 {
      "tpu.region"() ({
        %run_scoped3A = tpu.sem_alloc : memref<!tpu.dma_semaphore, #tpu.memory_space<semaphore_mem>>
        %dma_start3A_126 = arith.constant 999424 : i32
        %dma_start3A_127 = tpu.memref_slice %arg2[%mul3A_0, %dma_start3A_126] : memref<16x1000000xf32, #tpu.memory_space<hbm>> -> memref<8x576xf32, #tpu.memory_space<hbm>>
        %dma_start3A_128 = arith.constant 999424 : i32
        %dma_start3A_129 = tpu.memref_slice %arg2[%mul3A_0, %dma_start3A_128] : memref<16x1000000xf32, #tpu.memory_space<hbm>> -> memref<8x576xf32, #tpu.memory_space<hbm>>
        tpu.enqueue_dma source(%dma_start3A_129 : memref<8x576xf32, #tpu.memory_space<hbm>>) target(%arg6 : memref<8x576xf32, #tpu.memory_space<vmem>>) target_semaphore(%run_scoped3A : memref<!tpu.dma_semaphore, #tpu.memory_space<semaphore_mem>>)
        %dma_wait3A_130 = arith.constant 999424 : i32
        %dma_wait3A_131 = tpu.memref_slice %arg2[%mul3A_0, %dma_wait3A_130] : memref<16x1000000xf32, #tpu.memory_space<hbm>> -> memref<8x576xf32, #tpu.memory_space<hbm>>
        %dma_wait3A_132 = arith.constant 999424 : i32
        %dma_wait3A_133 = tpu.memref_slice %arg2[%mul3A_0, %dma_wait3A_132] : memref<16x1000000xf32, #tpu.memory_space<hbm>> -> memref<8x576xf32, #tpu.memory_space<hbm>>
        tpu.wait_dma2 semaphore(%run_scoped3A : memref<!tpu.dma_semaphore, #tpu.memory_space<semaphore_mem>>) src(%dma_wait3A_133 : memref<8x576xf32, #tpu.memory_space<hbm>>) dst(%arg6 : memref<8x576xf32, #tpu.memory_space<vmem>>)
        tpu.yield
      }) : () -> ()
      "tpu.region"() ({
        %run_scoped3A = tpu.sem_alloc : memref<!tpu.dma_semaphore, #tpu.memory_space<semaphore_mem>>
        %dma_start3A_126 = arith.constant 999424 : i32
        %dma_start3A_127 = tpu.memref_slice %arg3[%mul3A_0, %dma_start3A_126] : memref<16x1000000xf32, #tpu.memory_space<hbm>> -> memref<8x576xf32, #tpu.memory_space<hbm>>
        %dma_start3A_128 = arith.constant 999424 : i32
        %dma_start3A_129 = tpu.memref_slice %arg3[%mul3A_0, %dma_start3A_128] : memref<16x1000000xf32, #tpu.memory_space<hbm>> -> memref<8x576xf32, #tpu.memory_space<hbm>>
        tpu.enqueue_dma source(%arg6 : memref<8x576xf32, #tpu.memory_space<vmem>>) target(%dma_start3A_129 : memref<8x576xf32, #tpu.memory_space<hbm>>) target_semaphore(%run_scoped3A : memref<!tpu.dma_semaphore, #tpu.memory_space<semaphore_mem>>)
        %dma_wait3A_130 = arith.constant 999424 : i32
        %dma_wait3A_131 = tpu.memref_slice %arg3[%mul3A_0, %dma_wait3A_130] : memref<16x1000000xf32, #tpu.memory_space<hbm>> -> memref<8x576xf32, #tpu.memory_space<hbm>>
        %dma_wait3A_132 = arith.constant 999424 : i32
        %dma_wait3A_133 = tpu.memref_slice %arg3[%mul3A_0, %dma_wait3A_132] : memref<16x1000000xf32, #tpu.memory_space<hbm>> -> memref<8x576xf32, #tpu.memory_space<hbm>>
        tpu.wait_dma2 semaphore(%run_scoped3A : memref<!tpu.dma_semaphore, #tpu.memory_space<semaphore_mem>>) src(%arg6 : memref<8x576xf32, #tpu.memory_space<vmem>>) dst(%dma_wait3A_133 : memref<8x576xf32, #tpu.memory_space<hbm>>)
        tpu.yield
      }) : () -> ()
    } else {
    }
    return
  }
}

</mosaic_0001>

<sc_bundles>
// kernel: kernel.3.cloned.1.call-start
scs
__scs_entry_jumppad:
0x0: {  	(pc) =	sbr.rel $0x88, $3  }
0x1: {  	(tag) =	ssettag $0x0;
	lr =	simm.s32 $0x1  }
0x2: {  	[smem:$0x3FA0] =	sst lr;
	_ =	strace $0xD0000000  }
0x3: {  	_ = 	snop  }
0x4: {  	_ = 	snop  }
0x5: {  	_ = 	snop  }
0x6: {  	_ = 	snop  }
0x7: {  	_ = 	snop  }
__scs_overlays_trampoline_lowered:
0x8: {  	[smem:$0x3FAF] =	sst s0  }
0x9: {  	[smem:$0x3FB0] =	sst s1  }
0xa: {  	[smem:$0x3FB1] =	sst s2  }
0xb: {  	[smem:$0x3FB2] =	sst s3  }
0xc: {  	[smem:$0x3FB3] =	sst s4  }
0xd: {  	[smem:$0x3FB4] =	sst s5  }
0xe: {  	[smem:$0x3FB5] =	sst s6  }
0xf: {  	[smem:$0x3FB6] =	sst s7  }
0x10: {  	[smem:$0x3FB7] =	sst s8  }
0x11: {  	[smem:$0x3FB8] =	sst s9;
	s0 =	simm.s32 @!p0 $0x0  }
0x12: {  	s1 =	sld [smem:$0x3F9E];
	s0 =	simm.s32 @p0 $0x1  }
0x13: {  	[smem:$0x3FB9] =	sst s0;
	s0 =	simm.s32 @!p1 $0x0  }
0x14: {  	s2 =	sld [smem:$0x3F9D];
	s0 =	simm.s32 @p1 $0x1  }
0x15: {  	[smem:$0x3FBA] =	sst s0;
	s0 =	simm.s32 @!p2 $0x0  }
0x16: {  	s3 =	sld [smem:$0x3FDB];
	s0 =	simm.s32 @p2 $0x1  }
0x17: {  	s4 =	simm.s32 $0x1BF5;
	[smem:$0x3FBC] =	sst s0  }
0x18: {  	s0 =	sld [smem:$0x3F9F];
	_ =	swait.ge [sflag:s4], $0x0  }
0x19: {  	s7 =	sld [smem:$0x3FA0]  }
0x1a: {  	s8 =	sadd.s32 $0xFFFFE003, lr  }
0x1b: {  	s9 =	sadd.s32 $0xFFFFFEF7, lr;
	s5 =	simm.s32 $0xFFFFFFFF;
	p2 =	slt.u32 s8, $0xFFFFF086  }
0x1c: {  	p1 =	slt.u32 s9, $0xF7A;
	s5 =	simm.s32 @!p2 $0x0  }
0x1d: {  	s5 =	simm.s32 @p1 $0x1;
	p0 =	seq.s32 s7, s2  }
0x1e: {  	s7 =	smul.u32 @!p0 $0xF7A, s2;
	p2 =	seq.s32 @!p0 s5, $0x0  }
0x1f: {  	s9 =	smul.u32 $0xF7A, s1;
	s8 =	simm.s32 @!p0 $0x1BF5;
	p2 =	por !p2, p0  }
0x20: {  	[sflag:s8] =	ssyncset.s32 @!p0 $0xFFFFF086;
	s6 =	sadd.s32 @!p0 s3, s7;
	s7 =	simm.s32 @!p0 $0x108  }
0x21: {  	s3 =	sadd.s32 s3, s9;
	s6 =	sadd.s32 @!p0 $0x88, s6;
	s7 =	simm.s32 @p2 $0x1082  }
0x22: {  	[simem:s7], [sflag:s8] =	dma.local @!p0 [hbm:s6], $0xF7A  }
0x23: {  	s9 =	sor.u32 $0xD0000000, s2;
	s6 =	simm.s32 $0x108;
	_ =	swait.ge @!p0 [sflag:s8], $0x0  }
0x24: {  	s3 =	sadd.s32 $0x88, s3;
	s6 =	simm.s32 @!p1 $0x1082;
	[sflag:s4] =	ssyncset.s32 $0xFFFFF086  }
0x25: {  	[simem:s6], [sflag:s4] =	dma.local [hbm:s3], $0xF7A  }
0x26: {  	[smem:$0x3FA0] =	sst s1;
	(tag) =	ssettag s2;
	_ =	strace s9  }
0x27: {  	s1 =	sld [smem:$0x3FB0]  }
0x28: {  	s2 =	sld [smem:$0x3FB1]  }
0x29: {  	s4 =	sld [smem:$0x3FB3]  }
0x2a: {  	p0 =	seq.s32 s5, $0x0;
	s5 =	sld [smem:$0x3FB4]  }
0x2b: {  	s6 =	sld [smem:$0x3FB5]  }
0x2c: {  	s7 =	sld [smem:$0x3FB6]  }
0x2d: {  	s3 =	simm.s32 $0x108;
	s8 =	sld [smem:$0x3FB7]  }
0x2e: {  	s3 =	simm.s32 @!p0 $0x1082;
	s9 =	sld [smem:$0x3FB8]  }
0x2f: {  	lr =	sadd.s32 s0, s3;
	s0 =	sld [smem:$0x3FAF]  }
0x30: {  	s3 =	sld [smem:$0x3FB2]  }
0x31: {  	[smem:$0x3FBB] =	sst s10  }
0x32: {  	s10 =	sld [smem:$0x3FB9];
	_ =	sdelay $0x3  }
0x33: {  	p0 =	seq.s32 s10, $0x1;
	s10 =	sld [smem:$0x3FBB];
	_ =	sdelay $0x3  }
0x34: {  	[smem:$0x3FBB] =	sst s10  }
0x35: {  	s10 =	sld [smem:$0x3FBA];
	_ =	sdelay $0x3  }
0x36: {  	p1 =	seq.s32 s10, $0x1;
	s10 =	sld [smem:$0x3FBB];
	_ =	sdelay $0x3  }
0x37: {  	[smem:$0x3FBB] =	sst s10  }
0x38: {  	s10 =	sld [smem:$0x3FBC]  }
0x39: {  	_ = 	snop;
	(pc) =	sbr.ind lr, $3  }
0x3a: {  	_ = 	snop  }
0x3b: {  	_ = 	snop  }
0x3c: {  	p2 =	seq.s32 s10, $0x1;
	s10 =	sld [smem:$0x3FBB]  }
0x3d: {  	_ =	shalt  }
0x3e: {  	_ =	shalt  }
0x3f: {  	_ =	shalt  }
0x40: {  	_ =	shalt  }
0x41: {  	_ =	shalt  }
0x42: {  	_ =	shalt  }
0x43: {  	_ =	shalt  }
0x44: {  	_ =	shalt  }
0x45: {  	_ =	shalt  }
0x46: {  	_ =	shalt  }
0x47: {  	_ =	shalt  }
0x48: {  	_ =	shalt  }
0x49: {  	_ =	shalt  }
0x4a: {  	_ =	shalt  }
0x4b: {  	_ =	shalt  }
0x4c: {  	_ =	shalt  }
0x4d: {  	_ =	shalt  }
0x4e: {  	_ =	shalt  }
0x4f: {  	_ =	shalt  }
0x50: {  	_ =	shalt  }
0x51: {  	_ =	shalt  }
0x52: {  	_ =	shalt  }
0x53: {  	_ =	shalt  }
0x54: {  	_ =	shalt  }
0x55: {  	_ =	shalt  }
0x56: {  	_ =	shalt  }
0x57: {  	_ =	shalt  }
0x58: {  	_ =	shalt  }
0x59: {  	_ =	shalt  }
0x5a: {  	_ =	shalt  }
0x5b: {  	_ =	shalt  }
0x5c: {  	_ =	shalt  }
0x5d: {  	_ =	shalt  }
0x5e: {  	_ =	shalt  }
0x5f: {  	_ =	shalt  }
0x60: {  	_ =	shalt  }
0x61: {  	_ =	shalt  }
0x62: {  	_ =	shalt  }
0x63: {  	_ =	shalt  }
0x64: {  	_ =	shalt  }
0x65: {  	_ =	shalt  }
0x66: {  	_ =	shalt  }
0x67: {  	_ =	shalt  }
0x68: {  	_ =	shalt  }
0x69: {  	_ =	shalt  }
0x6a: {  	_ =	shalt  }
0x6b: {  	_ =	shalt  }
0x6c: {  	_ =	shalt  }
0x6d: {  	_ =	shalt  }
0x6e: {  	_ =	shalt  }
0x6f: {  	_ =	shalt  }
0x70: {  	_ =	shalt  }
0x71: {  	_ =	shalt  }
0x72: {  	_ =	shalt  }
0x73: {  	_ =	shalt  }
0x74: {  	_ =	shalt  }
0x75: {  	_ =	shalt  }
0x76: {  	_ =	shalt  }
0x77: {  	_ =	shalt  }
0x78: {  	_ =	shalt  }
0x79: {  	_ =	shalt  }
0x7a: {  	_ =	shalt  }
0x7b: {  	_ =	shalt  }
0x7c: {  	_ =	shalt  }
0x7d: {  	_ =	shalt  }
0x7e: {  	_ =	shalt  }
0x7f: {  	_ =	shalt  }
0x80: {  	_ =	shalt  }
0x81: {  	_ =	shalt  }
0x82: {  	_ =	shalt  }
0x83: {  	_ =	shalt  }
0x84: {  	_ =	shalt  }
0x85: {  	_ =	shalt  }
0x86: {  	_ =	shalt  }
0x87: {  	_ =	shalt  }
.Lfunc_end0:
.L_simem_size_0:
called_computation_lowered:
.L_overlay_start_0:
0x88: {  	s2 =	sld [smem:$0x3FD9]  }
0x89: {  	s3 =	sld [smem:$0x3FFE];
	_ =	sdelay $0x1  }
0x8a: {  	s1 =	srdreg.scid  }
0x8b: {  	s0 =	sand.u32 $0x1, s1  }
0x8c: {  	s18 =	sshll.u32 s0, $0xA;
	s2 =	sadd.s32 s3, s2  }
0x8d: {  	s2 =	sadd.s32 s2, s18  }
0x8e: {  	[smem:$0x3FC7] =	sst s2  }
0x8f: {  	_ = 	snop  }
0x90: {  	s2 =	sld [smem:$0x3FC9]  }
0x91: {  	s19 =	sld [smem:$0x3FD0];
	(tm) =	ssettm $0x1  }
0x92: {  	s4 =	sld [smem:$0x3FFB];
	_ =	sdelay $0x3  }
0x93: {  	_ =	strace s4  }
0x94: {  	s4 =	sld [smem:$0x3FFC];
	_ =	sdelay $0x3  }
0x95: {  	_ =	strace s4  }
0x96: {  	s4 =	sld [smem:$0x3FFD];
	_ =	sdelay $0x3  }
0x97: {  	_ =	strace s4  }
0x98: {  	_ =	strace $0x8FFFFFFF  }
0x99: {  	s20 =	sld [smem:$0x3FDB];
	_ =	sdelay $0x1  }
0x9a: {  	s5 =	simm.s32 $_scs_section_size  }
0x9b: {  	s6 =	simm.s32 $_size__tile_overlayer_lowered;
	s7 =	simm.s32 $_tile_overlayer_lowered  }
0x9c: {  	s23 =	simm.s32 $0x1BFF;
	s22 =	sshll.u32 s7, $0x1;
	s4 =	sadd.s32 s5, s20  }
0x9d: {  	s8 =	simm.s32 $0x0;
	s21 =	sshll.u32 s6, $0x1;
	s6 =	sadd.s32 s22, s4  }
0x9e: {  	[timem:s8], [sflag:s23] =	dma.local [hbm:s6], s21  }
0x9f: {  	_ =	swait.ge [sflag:s23], s21  }
0xa0: {  	s5 =	ssub.s32 $0x0, s21;
	[sflag:s23] =	ssyncset.done $0x0  }
0xa1: {  	[sflag:s23] =	ssyncadd.s32 s5;
	_ =	sdelay $0x1  }
0xa2: {  	s24 =	simm.s32 $0x1B8B  }
0xa3: {  	_ =	swait.ge [sflag:s24], $0x1  }
0xa4: {  	[sflag:s24] =	ssyncset.done $0x0  }
0xa5: {  	s25 =	simm.s32 $0x1B8E;
	[sflag:s24] =	ssyncadd.s32 $0xFFFFFFFF  }
0xa6: {  	s26 =	simm.s32 $execute0_lowered;
	[smem:$0x3FD2] =	sst s25  }
0xa7: {  	s5 =	sshll.u32 s26, $0x1;
	_ =	strace $0x80000046;
	[dreg:$0x1] =	wrdreg $0xFFFFFFFF  }
0xa8: {  	s28 =	simm.s32 $_size_execute0_lowered;
	s4 =	sadd.s32 s4, s5;
	[dreg:$0x0] =	wrdreg $0x0  }
0xa9: {  	s5 =	sshll.u32 s28, $0x1;
	[dreg:$0x2] =	wrdreg s4  }
0xaa: {  	[dreg:$0x3] =	wrdreg s5  }
0xab: {  	[dreg:$0x4] =	wrdreg $0xC0  }
0xac: {  	_ =	task [dreg:s8], $0x5FFFF  }
0xad: {  	[dreg:$0x1] =	wrdreg $0xFFFFFFFF  }
0xae: {  	[dreg:$0x0] =	wrdreg $0x60  }
0xaf: {  	[dreg:$0x2] =	wrdreg s2  }
0xb0: {  	[dreg:$0x3] =	wrdreg s19  }
0xb1: {  	[dreg:$0x4] =	wrdreg $0x9  }
0xb2: {  	_ =	task.clear_ibuf [dreg:s8], $0x5FFFF;
	_ =	strace $0x90000046  }
0xb3: {  	s29 =	simm.s32 $0x9;
	_ =	strace $0x80000048  }
0xb4: {  	_ =	swait.ge [sflag:s29], $0x1  }
0xb5: {  	[sflag:s29] =	ssyncadd.s32 $0xFFFFFFFF  }
0xb6: {  	_ =	strace $0x90000048  }
0xb7: {  	_ =	sfence  }
0xb8: {  	s30 =	sld [smem:$0x0];
	_ =	sdelay $0x2  }
0xb9: {  	s31 =	sshll.u32 s1, $0xD;
	s1 =	sshrl.u32 s1, $0x2  }
0xba: {  	s3 =	sand.u32 $0x4000, s31;
	s1 =	sadd.s32 s1, s30  }
0xbb: {  	s0 =	sor.u32 s3, s0;
	s1 =	sshll.u32 s1, $0x11  }
0xbc: {  	s0 =	sor.u32 s1, s0  }
0xbd: {  	s0 =	sadd.s32 $0x8F2B, s0  }
0xbe: {  	[sflag:s0] =	ssyncadd.remote.s32 $0x1  }
0xbf: {  	_ =	sfence.sel $0xFFFF  }
0xc0: {  	[dreg:$0x0] =	wrdreg $0xFFFFFFFF;
	(pc) =	sbr.abs _section_cstart, $3  }
0xc1: {  	[dreg:$0x1] =	wrdreg $0xFFFFFFFF  }
0xc2: {  	_ =	task.clear_ibuf [dreg:s8], $0x2FFFF;
	_ =	strace $0x9FFFFFFF  }
0xc3: {  	(tm) =	ssettm $0x7FFFFFFF  }
tec
execute0_lowered:
.L_overlay_start_1:
0x0: {  	(tag) =	ssettag $0x1  }
0x1: {  	s0 =	srdreg.scid  }
0x2: {  	s25 =	sand.u32 $0x1, s0  }
0x3: {  	s0 =	stileid.u32;
	s26 =	smul.u32 $0x7A1400, s25  }
0x4: {  	s3 =	smul.u32 $0x7A000, s0  }
0x5: {  	s24 =	rddreg [dreg:$0x0]  }
0x6: {  	s29 =	rddreg [dreg:$0x1];
	s2 =	simm.s32 $0x0;
	s3 =	sadd.s32 s3, s26  }
0x7: {  	[smem:$0x7FF] =	sst s2;
	s21 =	sshrl.u32 s3, $0x3  }
0x8: {  	_ =	strace $0x80000047;
	s3 =	sadd.s32 s24, s21;
	s11 =	sadd.s32 $0x1E80, s21  }
0x9: {  	[tilespmem:s2], [sflag:$0x1] =	stream.linear.gather [hbm4b:s3+s2], $0xF400, $0x38;
	[tilespmem:$0x1FC00] =	vst v63  }
0xa: {  	s5 =	simm.s32 $0xF400;
	s6 =	simm.s32 $0x1;
	s4 =	sadd.s32 s24, s11  }
0xb: {  	[tilespmem:s5], [sflag:$0x2] =	stream.linear.gather [hbm4b:s4+s2], $0xF400, $0x38;
	[tilespmem:$0x1FC00] =	vst v63  }
0xc: {  	_ =	swait.ge [sflag:s6], $0xF400  }
0xd: {  	[sflag:s6] =	ssyncset.done $0x0  }
0xe: {  	s8 =	simm.s32 $0x3;
	s7 =	sadd.s32 s29, s21;
	[sflag:s6] =	ssyncadd.s32 $0xFFFF0C00  }
0xf: {  	[hbm4b:s7+s2] =	stream.linear.scatter [tilespmem:s2], [sflag:$0x3], $0xF400, $0x38;
	[tilespmem:$0x1FC00] =	vst v63  }
0x10: {  	_ =	swait.ge [sflag:s8], $0xF400  }
0x11: {  	s14 =	sadd.s32 $0x3D00, s21;
	[sflag:s8] =	ssyncset.done $0x0  }
0x12: {  	s10 =	simm.s32 $0x2;
	s9 =	sadd.s32 s24, s14;
	[sflag:s8] =	ssyncadd.s32 $0xFFFF0C00  }
0x13: {  	[tilespmem:s2], [sflag:$0x1] =	stream.linear.gather [hbm4b:s9+s2], $0xF400, $0x38;
	[tilespmem:$0x1FC00] =	vst v63  }
0x14: {  	_ =	swait.ge [sflag:s10], $0xF400  }
0x15: {  	[sflag:s10] =	ssyncset.done $0x0  }
0x16: {  	s12 =	simm.s32 $0x4;
	s11 =	sadd.s32 s29, s11;
	[sflag:s10] =	ssyncadd.s32 $0xFFFF0C00  }
0x17: {  	[hbm4b:s11+s2] =	stream.linear.scatter [tilespmem:s5], [sflag:$0x4], $0xF400, $0x38;
	[tilespmem:$0x1FC00] =	vst v63  }
0x18: {  	_ =	swait.ge [sflag:s12], $0xF400  }
0x19: {  	s16 =	sadd.s32 $0x5B80, s21;
	[sflag:s12] =	ssyncset.done $0x0  }
0x1a: {  	s13 =	sadd.s32 s24, s16;
	[sflag:s12] =	ssyncadd.s32 $0xFFFF0C00  }
0x1b: {  	[tilespmem:s5], [sflag:$0x2] =	stream.linear.gather [hbm4b:s13+s2], $0xF400, $0x38;
	[tilespmem:$0x1FC00] =	vst v63  }
0x1c: {  	_ =	swait.ge [sflag:s6], $0xF400  }
0x1d: {  	[sflag:s6] =	ssyncset.done $0x0  }
0x1e: {  	s14 =	sadd.s32 s29, s14;
	[sflag:s6] =	ssyncadd.s32 $0xFFFF0C00  }
0x1f: {  	[hbm4b:s14+s2] =	stream.linear.scatter [tilespmem:s2], [sflag:$0x3], $0xF400, $0x38;
	[tilespmem:$0x1FC00] =	vst v63  }
0x20: {  	_ =	swait.ge [sflag:s8], $0xF400  }
0x21: {  	s18 =	sadd.s32 $0x7A00, s21;
	[sflag:s8] =	ssyncset.done $0x0  }
0x22: {  	s15 =	sadd.s32 s24, s18;
	[sflag:s8] =	ssyncadd.s32 $0xFFFF0C00  }
0x23: {  	[tilespmem:s2], [sflag:$0x1] =	stream.linear.gather [hbm4b:s15+s2], $0xF400, $0x38;
	[tilespmem:$0x1FC00] =	vst v63  }
0x24: {  	_ =	swait.ge [sflag:s10], $0xF400  }
0x25: {  	[sflag:s10] =	ssyncset.done $0x0  }
0x26: {  	s16 =	sadd.s32 s29, s16;
	[sflag:s10] =	ssyncadd.s32 $0xFFFF0C00  }
0x27: {  	[hbm4b:s16+s2] =	stream.linear.scatter [tilespmem:s5], [sflag:$0x4], $0xF400, $0x38;
	[tilespmem:$0x1FC00] =	vst v63  }
0x28: {  	_ =	swait.ge [sflag:s12], $0xF400  }
0x29: {  	s20 =	sadd.s32 $0x9880, s21;
	[sflag:s12] =	ssyncset.done $0x0  }
0x2a: {  	s17 =	sadd.s32 s24, s20;
	[sflag:s12] =	ssyncadd.s32 $0xFFFF0C00  }
0x2b: {  	[tilespmem:s5], [sflag:$0x2] =	stream.linear.gather [hbm4b:s17+s2], $0xF400, $0x38;
	[tilespmem:$0x1FC00] =	vst v63  }
0x2c: {  	_ =	swait.ge [sflag:s6], $0xF400  }
0x2d: {  	[sflag:s6] =	ssyncset.done $0x0  }
0x2e: {  	s18 =	sadd.s32 s29, s18;
	[sflag:s6] =	ssyncadd.s32 $0xFFFF0C00  }
0x2f: {  	[hbm4b:s18+s2] =	stream.linear.scatter [tilespmem:s2], [sflag:$0x3], $0xF400, $0x38;
	[tilespmem:$0x1FC00] =	vst v63  }
0x30: {  	_ =	swait.ge [sflag:s8], $0xF400  }
0x31: {  	s22 =	sadd.s32 $0xB700, s21;
	[sflag:s8] =	ssyncset.done $0x0  }
0x32: {  	s19 =	sadd.s32 s24, s22;
	[sflag:s8] =	ssyncadd.s32 $0xFFFF0C00  }
0x33: {  	[tilespmem:s2], [sflag:$0x1] =	stream.linear.gather [hbm4b:s19+s2], $0xF400, $0x38;
	[tilespmem:$0x1FC00] =	vst v63  }
0x34: {  	_ =	swait.ge [sflag:s10], $0xF400  }
0x35: {  	[sflag:s10] =	ssyncset.done $0x0  }
0x36: {  	s20 =	sadd.s32 s29, s20;
	[sflag:s10] =	ssyncadd.s32 $0xFFFF0C00  }
0x37: {  	[hbm4b:s20+s2] =	stream.linear.scatter [tilespmem:s5], [sflag:$0x4], $0xF400, $0x38;
	[tilespmem:$0x1FC00] =	vst v63  }
0x38: {  	_ =	swait.ge [sflag:s12], $0xF400  }
0x39: {  	s23 =	sadd.s32 $0xD580, s21;
	[sflag:s12] =	ssyncset.done $0x0  }
0x3a: {  	s21 =	sadd.s32 s24, s23;
	[sflag:s12] =	ssyncadd.s32 $0xFFFF0C00  }
0x3b: {  	[tilespmem:s5], [sflag:$0x2] =	stream.linear.gather [hbm4b:s21+s2], $0xF400, $0x38;
	[tilespmem:$0x1FC00] =	vst v63  }
0x3c: {  	_ =	swait.ge [sflag:s6], $0xF400  }
0x3d: {  	[sflag:s6] =	ssyncset.done $0x0  }
0x3e: {  	p0 =	sne.s32 s0, $0xF;
	s22 =	sadd.s32 s29, s22;
	[sflag:s6] =	ssyncadd.s32 $0xFFFF0C00  }
0x3f: {  	[hbm4b:s22+s2] =	stream.linear.scatter [tilespmem:s2], [sflag:$0x3], $0xF400, $0x38;
	[tilespmem:$0x1FC00] =	vst v63  }
0x40: {  	s30 =	ssub.s32 $0x2, s25;
	s28 =	simm.s32 @!p0 $0x1E800;
	_ =	swait.ge [sflag:s10], $0xF400  }
0x41: {  	s1 =	sshrl.u32 s30, $0x1;
	s25 =	simm.s32 @!p0 $0x5;
	[sflag:s10] =	ssyncset.done $0x0  }
0x42: {  	s26 =	sshrl.u32 s26, $0x3;
	s23 =	sadd.s32 s29, s23;
	[sflag:s10] =	ssyncadd.s32 $0xFFFF0C00  }
0x43: {  	[hbm4b:s23+s2] =	stream.linear.scatter [tilespmem:s5], [sflag:$0x4], $0xF400, $0x38;
	[tilespmem:$0x1FC00] =	vst v63  }
0x44: {  	s1 =	ssub.s32 s30, s1;
	s31 =	sadd.s32 $0xF4000, s26;
	_ =	swait.ge [sflag:s12], $0xF400  }
0x45: {  	s26 =	simm.s32 @!p0 $0x0;
	s1 =	smax.u32 s1, $0x1;
	[sflag:s12] =	ssyncset.done $0x0  }
0x46: {  	s30 =	sadd.s32 $0xFFFFFFFF, s1;
	s24 =	sadd.s32 s24, s31;
	[sflag:s12] =	ssyncadd.s32 $0xFFFF0C00  }
0x47: {  	[tilespmem:s28], [sflag:$0x5] =	stream.linear.gather @!p0 [hbm4b:s24+s26], $0x1400, $0x38;
	[tilespmem:$0x1FC00] =	vst v63  }
0x48: {  	p1 =	sne.s32 s30, $0x0;
	_ =	swait.ge @!p0 [sflag:s25], $0x1400  }
.Ltmp0:
0x49: {  	[sflag:s25] =	ssyncset.done @!p0 $0x0;
	(pc) =	sbr.rel @!p1 .LBB2_2-.Ltmp0, $4  }
0x4a: {  	s29 =	sadd.s32 s29, s31;
	[sflag:s25] =	ssyncadd.s32 @!p0 $0xFFFFEC00  }
0x4b: {  	[hbm4b:s29+s26] =	stream.linear.scatter @!p0 [tilespmem:s28], [sflag:$0x5], $0x1400, $0x38;
	[tilespmem:$0x1FC00] =	vst v63  }
0x4c: {  	_ =	swait.ge @!p0 [sflag:s25], $0x1400  }
0x4d: {  	[sflag:s25] =	ssyncset.done @!p0 $0x0  }
.LBB2_1:
0x4e: {  	s30 =	sadd.s32 $0xFFFFFFFF, s30;
	[sflag:s25] =	ssyncadd.s32 @!p0 $0xFFFFEC00  }
0x4f: {  	[tilespmem:s2], [sflag:$0x1] =	stream.linear.gather [hbm4b:s3+s2], $0xF400, $0x38;
	[tilespmem:$0x1FC00] =	vst v63  }
0x50: {  	p1 =	sne.s32 s30, $0x0  }
0x51: {  	[tilespmem:s5], [sflag:$0x2] =	stream.linear.gather [hbm4b:s4+s2], $0xF400, $0x38;
	[tilespmem:$0x1FC00] =	vst v63  }
0x52: {  	_ =	swait.ge [sflag:s6], $0xF400  }
0x53: {  	[sflag:s6] =	ssyncset.done $0x0  }
0x54: {  	[sflag:s6] =	ssyncadd.s32 $0xFFFF0C00  }
0x55: {  	[hbm4b:s7+s2] =	stream.linear.scatter [tilespmem:s2], [sflag:$0x3], $0xF400, $0x38;
	[tilespmem:$0x1FC00] =	vst v63  }
0x56: {  	_ =	swait.ge [sflag:s8], $0xF400  }
0x57: {  	[sflag:s8] =	ssyncset.done $0x0  }
0x58: {  	[sflag:s8] =	ssyncadd.s32 $0xFFFF0C00  }
0x59: {  	[tilespmem:s2], [sflag:$0x1] =	stream.linear.gather [hbm4b:s9+s2], $0xF400, $0x38;
	[tilespmem:$0x1FC00] =	vst v63  }
0x5a: {  	_ =	swait.ge [sflag:s10], $0xF400  }
0x5b: {  	[sflag:s10] =	ssyncset.done $0x0  }
0x5c: {  	[sflag:s10] =	ssyncadd.s32 $0xFFFF0C00  }
0x5d: {  	[hbm4b:s11+s2] =	stream.linear.scatter [tilespmem:s5], [sflag:$0x4], $0xF400, $0x38;
	[tilespmem:$0x1FC00] =	vst v63  }
0x5e: {  	_ =	swait.ge [sflag:s12], $0xF400  }
0x5f: {  	[sflag:s12] =	ssyncset.done $0x0  }
0x60: {  	[sflag:s12] =	ssyncadd.s32 $0xFFFF0C00  }
0x61: {  	[tilespmem:s5], [sflag:$0x2] =	stream.linear.gather [hbm4b:s13+s2], $0xF400, $0x38;
	[tilespmem:$0x1FC00] =	vst v63  }
0x62: {  	_ =	swait.ge [sflag:s6], $0xF400  }
0x63: {  	[sflag:s6] =	ssyncset.done $0x0  }
0x64: {  	[sflag:s6] =	ssyncadd.s32 $0xFFFF0C00  }
0x65: {  	[hbm4b:s14+s2] =	stream.linear.scatter [tilespmem:s2], [sflag:$0x3], $0xF400, $0x38;
	[tilespmem:$0x1FC00] =	vst v63  }
0x66: {  	_ =	swait.ge [sflag:s8], $0xF400  }
0x67: {  	[sflag:s8] =	ssyncset.done $0x0  }
0x68: {  	[sflag:s8] =	ssyncadd.s32 $0xFFFF0C00  }
0x69: {  	[tilespmem:s2], [sflag:$0x1] =	stream.linear.gather [hbm4b:s15+s2], $0xF400, $0x38;
	[tilespmem:$0x1FC00] =	vst v63  }
0x6a: {  	_ =	swait.ge [sflag:s10], $0xF400  }
0x6b: {  	[sflag:s10] =	ssyncset.done $0x0  }
0x6c: {  	[sflag:s10] =	ssyncadd.s32 $0xFFFF0C00  }
0x6d: {  	[hbm4b:s16+s2] =	stream.linear.scatter [tilespmem:s5], [sflag:$0x4], $0xF400, $0x38;
	[tilespmem:$0x1FC00] =	vst v63  }
0x6e: {  	_ =	swait.ge [sflag:s12], $0xF400  }
0x6f: {  	[sflag:s12] =	ssyncset.done $0x0  }
0x70: {  	[sflag:s12] =	ssyncadd.s32 $0xFFFF0C00  }
0x71: {  	[tilespmem:s5], [sflag:$0x2] =	stream.linear.gather [hbm4b:s17+s2], $0xF400, $0x38;
	[tilespmem:$0x1FC00] =	vst v63  }
0x72: {  	_ =	swait.ge [sflag:s6], $0xF400  }
0x73: {  	[sflag:s6] =	ssyncset.done $0x0  }
0x74: {  	[sflag:s6] =	ssyncadd.s32 $0xFFFF0C00  }
0x75: {  	[hbm4b:s18+s2] =	stream.linear.scatter [tilespmem:s2], [sflag:$0x3], $0xF400, $0x38;
	[tilespmem:$0x1FC00] =	vst v63  }
0x76: {  	_ =	swait.ge [sflag:s8], $0xF400  }
0x77: {  	[sflag:s8] =	ssyncset.done $0x0  }
0x78: {  	[sflag:s8] =	ssyncadd.s32 $0xFFFF0C00  }
0x79: {  	[tilespmem:s2], [sflag:$0x1] =	stream.linear.gather [hbm4b:s19+s2], $0xF400, $0x38;
	[tilespmem:$0x1FC00] =	vst v63  }
0x7a: {  	_ =	swait.ge [sflag:s10], $0xF400  }
0x7b: {  	[sflag:s10] =	ssyncset.done $0x0  }
0x7c: {  	[sflag:s10] =	ssyncadd.s32 $0xFFFF0C00  }
0x7d: {  	[hbm4b:s20+s2] =	stream.linear.scatter [tilespmem:s5], [sflag:$0x4], $0xF400, $0x38;
	[tilespmem:$0x1FC00] =	vst v63  }
0x7e: {  	_ =	swait.ge [sflag:s12], $0xF400  }
0x7f: {  	[sflag:s12] =	ssyncset.done $0x0  }
0x80: {  	[sflag:s12] =	ssyncadd.s32 $0xFFFF0C00  }
0x81: {  	[tilespmem:s5], [sflag:$0x2] =	stream.linear.gather [hbm4b:s21+s2], $0xF400, $0x38;
	[tilespmem:$0x1FC00] =	vst v63  }
0x82: {  	_ =	swait.ge [sflag:s6], $0xF400  }
0x83: {  	[sflag:s6] =	ssyncset.done $0x0  }
0x84: {  	[sflag:s6] =	ssyncadd.s32 $0xFFFF0C00  }
0x85: {  	[hbm4b:s22+s2] =	stream.linear.scatter [tilespmem:s2], [sflag:$0x3], $0xF400, $0x38;
	[tilespmem:$0x1FC00] =	vst v63  }
0x86: {  	_ =	swait.ge [sflag:s10], $0xF400  }
0x87: {  	[sflag:s10] =	ssyncset.done $0x0  }
0x88: {  	[sflag:s10] =	ssyncadd.s32 $0xFFFF0C00  }
0x89: {  	[hbm4b:s23+s2] =	stream.linear.scatter [tilespmem:s5], [sflag:$0x4], $0xF400, $0x38;
	[tilespmem:$0x1FC00] =	vst v63  }
0x8a: {  	_ =	swait.ge [sflag:s12], $0xF400  }
0x8b: {  	[sflag:s12] =	ssyncset.done $0x0  }
0x8c: {  	[sflag:s12] =	ssyncadd.s32 $0xFFFF0C00  }
0x8d: {  	[tilespmem:s28], [sflag:$0x5] =	stream.linear.gather @!p0 [hbm4b:s24+s26], $0x1400, $0x38;
	[tilespmem:$0x1FC00] =	vst v63  }
0x8e: {  	_ =	swait.ge @!p0 [sflag:s25], $0x1400  }
.Ltmp1:
0x8f: {  	[sflag:s25] =	ssyncset.done @!p0 $0x0;
	(pc) =	sbr.rel @p1 .LBB2_1-.Ltmp1, $4  }
0x90: {  	[sflag:s25] =	ssyncadd.s32 @!p0 $0xFFFFEC00  }
0x91: {  	[hbm4b:s29+s26] =	stream.linear.scatter @!p0 [tilespmem:s28], [sflag:$0x5], $0x1400, $0x38;
	[tilespmem:$0x1FC00] =	vst v63  }
0x92: {  	_ =	swait.ge @!p0 [sflag:s25], $0x1400  }
0x93: {  	[sflag:s25] =	ssyncset.done @!p0 $0x0  }
.LBB2_2:
0x94: {  	[sflag:s25] =	ssyncadd.s32 @!p0 $0xFFFFEC00  }
0x95: {  	_ =	sfence.sel $0x180000  }
0x96: {  	[bflag:$0x0] =	sbarrier.arrive $0xFFFF  }
0x97: {  	_ =	strace $0x90000047  }
0x98: {  	[bflag:$0x2] =	sbarrier.arrive $0xFFFF  }
0x99: {  	p0 =	sne.s32 s0, $0x0;
	s0 =	rddreg [dreg:$0x2]  }
0x9a: {  	s0 =	sadd.s32 @!p0 $0x100000, s0  }
0x9b: {  	[sflag:s0] =	ssyncadd.tile.s32 @!p0 $0x1;
	_ =	shalt  }
.Lfunc_end2:
_tile_overlayer_lowered:
.L_overlay_start_2:
0x9c: {  	(tag) =	ssettag $0x2  }
0x9d: {  	s0 =	rddreg [dreg:$0x0];
	s2 =	stileid.u32  }
0x9e: {  	s1 =	rddreg [dreg:$0x1];
	p0 =	sne.s32 s2, $0x0  }
0x9f: {  	s3 =	rddreg [dreg:$0x2];
	[bflag:$0x3] =	sbarrier.arrive $0xFFFF;
	s2 =	simm.s32 @!p0 $0x1C05  }
0xa0: {  	[timem:s3], [sflag:s2] =	dma.local @!p0 [hbm:s0], s1  }
0xa1: {  	s0 =	simm.s32 @!p0 $0x5  }
0xa2: {  	_ =	swait.ge @!p0 [sflag:s0], s1  }
0xa3: {  	s1 =	ssub.s32 @!p0 $0x0, s1;
	[sflag:s0] =	ssyncset.done @!p0 $0x0  }
0xa4: {  	[sflag:s0] =	ssyncadd.s32 @!p0 s1  }
0xa5: {  	[bflag:$0x3] =	sbarrier.arrive $0xFFFF  }
0xa6: {  	_ =	shalt  }

</sc_bundles>
